<compile_context>
chip_gen: v7x
topology: tpu7x:2x2x1
jax: 0.10.2.dev20260603
libtpu: 0.0.44.dev20260713+nightly
codegen_flags: <defaults>
</compile_context>

<pallas_src>
import jax
import jax.numpy as jnp
from jax import lax
from jax.experimental import pallas as pl
from jax.experimental.pallas import tpu as pltpu
from jax.experimental.pallas import tpu_sc as plsc

B, L, D = 16, 2048, 512
LANES = 16
CHUNKS = L // LANES


def _body(t32_hbm, seq_hbm, tout_hbm, sout_hbm, t4_hbm, trow, srow, t4v):
    s = lax.axis_index("s")

    @pl.when(s < B)
    def _():
        b = s
        pltpu.sync_copy(t32_hbm.at[b], trow)

        def count_chunk(i, acc):
            v = trow[pl.ds(i * LANES, LANES)]
            return acc + (v != 0).astype(jnp.int32)

        acc = lax.fori_loop(jnp.int32(0), jnp.int32(CHUNKS), count_chunk,
                            jnp.zeros((LANES,), jnp.int32))
        seq_len = jnp.sum(acc, dtype=jnp.int32)
        last = seq_len - 1

        base = (last // LANES) * LANES
        off = last - base
        chunk_v = trow[pl.ds(base, LANES)]
        lane = lax.iota(jnp.int32, LANES)
        trow[pl.ds(base, LANES)] = jnp.where(lane == off, 0, chunk_v)

        pltpu.sync_copy(trow, tout_hbm.at[b])
        pltpu.sync_copy(seq_hbm.at[b, pl.ds(last, 1)], srow)
        pltpu.sync_copy(srow, sout_hbm.at[b])

    @pl.when(s == 0)
    def _():
        t4v[...] = jnp.full((LANES,), 1.0, jnp.float32)
        pltpu.sync_copy(t4v, t4_hbm)


_mesh = plsc.VectorSubcoreMesh(core_axis_name="c", subcore_axis_name="s",
                               num_cores=1, num_subcores=16)

_sc_call = pl.kernel(
    _body,
    out_type=(
        jax.ShapeDtypeStruct((B, L), jnp.int32),
        jax.ShapeDtypeStruct((B, 1, D), jnp.float32),
        jax.ShapeDtypeStruct((B,), jnp.float32),
    ),
    mesh=_mesh,
    scratch_types=[
        pltpu.VMEM((L,), jnp.int32),
        pltpu.VMEM((1, D), jnp.float32),
        pltpu.VMEM((LANES,), jnp.float32),
    ],
    compiler_params=pltpu.CompilerParams(needs_layout_passes=False),
)


def _copy_body(x_ref, o_ref):
    o_ref[...] = x_ref[...]


def _tc_copy(x):
    return pl.pallas_call(
        _copy_body,
        out_shape=jax.ShapeDtypeStruct((B, L, D), jnp.float32),
        grid=(B,),
        in_specs=[pl.BlockSpec(
            (1, L, D), lambda i: (i, jnp.int32(0), jnp.int32(0)))],
        out_specs=pl.BlockSpec(
            (1, L, D), lambda i: (i, jnp.int32(0), jnp.int32(0))),
    )(x)


def kernel(seq3, time3):
    t32 = time3.astype(jnp.int32)
    tout, seq4, t4 = _sc_call(t32, seq3)
    seq3_out = _tc_copy(seq3)
    time3_new = tout.astype(jnp.uint32).astype(time3.dtype)
    time4 = t4[:, None]
    return (seq3_out, time3_new, seq4, time4)

# --- scband reference (transcript-rebuilt; emitter-appended) ---
"""Pipeline reference for scband-buy-sequence-68418829025946 (READ-ONLY COPY).

The authoritative reference and input builder live on the scoring server;
editing this copy changes nothing except your own understanding.
"""

import jax, jax.numpy as jnp
import numpy as np

jax.config.update("jax_enable_x64", True)


def setup_inputs(seed: int = 0) -> dict:
    key = jax.random.key(seed)
    B, L, D = 16, 2048, 512
    k1, k2, k3 = jax.random.split(key, 3)
    seq3 = jax.random.normal(k1, (B, L, D), dtype=jnp.float32)
    # ragged lengths: each row has `length` nonzero timestamps then zero padding
    lengths = jax.random.randint(k2, (B,), 1, L + 1, dtype=jnp.int64)
    vals = jax.random.randint(k3, (B, L), 1, 100, dtype=jnp.int64)
    pos = jnp.arange(L, dtype=jnp.int64)[None, :]
    time3 = jnp.where(pos < lengths[:, None], vals, jnp.zeros_like(vals))
    return {"seq3": seq3, "time3": time3}


def reference(seq3, time3):
    # mask = time3 (int64 [B, L]); find first zero per row = seq_len
    B, L = time3.shape
    mask = time3
    x = jnp.arange(L, dtype=jnp.int64)[None, :] * jnp.ones_like(mask)
    y = jnp.asarray(L, dtype=jnp.int64) * jnp.ones_like(mask)
    match_indices = jnp.where(mask == 0, x, y)
    seq_len = jnp.min(match_indices, axis=1)  # index of first pad (L if none)
    last = seq_len - 1  # last valid position per row
    rows = jnp.arange(B, dtype=jnp.int64)
    # tf.scatter_nd: ones scattered at (row, last) into zeros([B, L])
    updates = jnp.ones((B,), dtype=jnp.int64)
    mask_zero = jnp.zeros((B, L), dtype=jnp.int64).at[rows, last].add(updates)
    mask_zero = -1 * (mask_zero - 1)  # 0 at last valid pos, 1 elsewhere
    time3_new = mask_zero * mask
    # tf.gather_nd(seq3, indices[:, None]) -> seq3[b, last[b]] with shape [B, 1, D]
    seq4 = seq3[rows, last][:, None, :]
    time4 = jnp.ones((seq3.shape[0], 1), dtype=jnp.float32)
    return (seq3, time3_new, seq4, time4)

if __name__ == "__main__":
    import jax
    _d = setup_inputs()
    print(jax.jit(kernel)(*tuple(_d.values())))

</pallas_src>

<mosaic_0001>
#map = affine_map<(d0, d1) -> (0, 0)>
#map1 = affine_map<(d0, d1) -> (0, 0, 0)>
#map2 = affine_map<(d0, d1) -> (0)>
module attributes {stable_mosaic.version = 14 : i64} {
  func.func @_body(%arg0: i32, %arg1: i32, %arg2: memref<16x2048xi32, #tpu.memory_space<hbm>>, %arg3: memref<16x2048x512xf32, #tpu.memory_space<hbm>>, %arg4: memref<16x2048xi32, #tpu.memory_space<hbm>>, %arg5: memref<16x1x512xf32, #tpu.memory_space<hbm>>, %arg6: memref<16xf32, #tpu.memory_space<hbm>>, %arg7: memref<2048xi32, #tpu.memory_space<vmem>>, %arg8: memref<1x512xf32, #tpu.memory_space<vmem>>, %arg9: memref<16xf32, #tpu.memory_space<vmem>>) attributes {dimension_semantics = [#tpu.dimension_semantics<core_parallel>, #tpu.dimension_semantics<subcore_parallel>], iteration_bounds = array<i64: 1, 16>, scalar_prefetch = 0 : i64, scratch_operands = 3 : i64, tpu.core_type = #tpu.core_type<sc_vector_subcore>, window_params = [{transform_indices = #map}, {transform_indices = #map1}, {transform_indices = #map}, {transform_indices = #map1}, {transform_indices = #map2}]} {
    %lt3A = arith.constant 16 : i32
    %lt3A_0 = arith.cmpi slt, %arg1, %lt3A : i32
    %convert_element_type3A = arith.extui %lt3A_0 : i1 to i32
    %cond3A = arith.constant 0 : i32
    %cond3A_1 = arith.cmpi ne, %convert_element_type3A, %cond3A : i32
    scf.if %cond3A_1 {
      "tpu.region"() ({
        %run_scoped3A = tpu.sem_alloc : memref<!tpu.dma_semaphore, #tpu.memory_space<semaphore_mem>>
        %dma_start3A = arith.constant 0 : i32
        %dma_start3A_50 = tpu.memref_slice %arg2[%arg1, %dma_start3A] : memref<16x2048xi32, #tpu.memory_space<hbm>> -> memref<1x2048xi32, #tpu.memory_space<hbm>>
        %dma_start3A_51 = tpu.memref_squeeze %dma_start3A_50 : memref<1x2048xi32, #tpu.memory_space<hbm>> -> memref<2048xi32, #tpu.memory_space<hbm>>
        %dma_start3A_52 = arith.constant 0 : i32
        %dma_start3A_53 = tpu.memref_slice %arg2[%arg1, %dma_start3A_52] : memref<16x2048xi32, #tpu.memory_space<hbm>> -> memref<1x2048xi32, #tpu.memory_space<hbm>>
        %dma_start3A_54 = tpu.memref_squeeze %dma_start3A_53 : memref<1x2048xi32, #tpu.memory_space<hbm>> -> memref<2048xi32, #tpu.memory_space<hbm>>
        tpu.enqueue_dma source(%dma_start3A_54 : memref<2048xi32, #tpu.memory_space<hbm>>) target(%arg7 : memref<2048xi32, #tpu.memory_space<vmem>>) target_semaphore(%run_scoped3A : memref<!tpu.dma_semaphore, #tpu.memory_space<semaphore_mem>>)
        %dma_wait3A = arith.constant 0 : i32
        %dma_wait3A_55 = tpu.memref_slice %arg2[%arg1, %dma_wait3A] : memref<16x2048xi32, #tpu.memory_space<hbm>> -> memref<1x2048xi32, #tpu.memory_space<hbm>>
        %dma_wait3A_56 = tpu.memref_squeeze %dma_wait3A_55 : memref<1x2048xi32, #tpu.memory_space<hbm>> -> memref<2048xi32, #tpu.memory_space<hbm>>
        %dma_wait3A_57 = arith.constant 0 : i32
        %dma_wait3A_58 = tpu.memref_slice %arg2[%arg1, %dma_wait3A_57] : memref<16x2048xi32, #tpu.memory_space<hbm>> -> memref<1x2048xi32, #tpu.memory_space<hbm>>
        %dma_wait3A_59 = tpu.memref_squeeze %dma_wait3A_58 : memref<1x2048xi32, #tpu.memory_space<hbm>> -> memref<2048xi32, #tpu.memory_space<hbm>>
        tpu.wait_dma2 semaphore(%run_scoped3A : memref<!tpu.dma_semaphore, #tpu.memory_space<semaphore_mem>>) src(%dma_wait3A_59 : memref<2048xi32, #tpu.memory_space<hbm>>) dst(%arg7 : memref<2048xi32, #tpu.memory_space<vmem>>)
        tpu.yield
      }) : () -> ()
      %broadcast_in_dim3A = arith.constant 0 : i32
      %broadcast_in_dim3A_6 = vector.broadcast %broadcast_in_dim3A : i32 to vector<16xi32>
      %while3A = arith.constant 0 : i32
      %while3A_7 = arith.constant 128 : i32
      %while3A_8 = arith.subi %while3A_7, %while3A : i32
      %while3A_9 = arith.addi %while3A, %while3A_8 : i32
      %while3A_10 = arith.constant 1 : i32
      %while3A_11 = arith.divsi %while3A_8, %while3A_10 : i32
      %while3A_12 = arith.muli %while3A_11, %while3A_10 : i32
      %while3A_13 = arith.addi %while3A, %while3A_12 : i32
      %while3A_14 = arith.constant 1 : i32
      %while3A_15 = scf.for %while3A_50 = %while3A to %while3A_13 step %while3A_14 iter_args(%while3A_51 = %broadcast_in_dim3A_6) -> (vector<16xi32>)  : i32 {
        %mul3A_52 = arith.constant 16 : i32
        %mul3A_53 = arith.muli %while3A_50, %mul3A_52 : i32
        %get3A_54 = arith.index_cast %mul3A_53 : i32 to index
        %get3A_55 = tpu.vector_load %arg7[%get3A_54] {strides = array<i32>} : memref<2048xi32, #tpu.memory_space<vmem>>, vector<16xi32>,
        %ne3A_56 = arith.constant 0 : i32
        %ne3A_57 = vector.broadcast %ne3A_56 : i32 to vector<16xi32>
        %ne3A_58 = arith.cmpi ne, %get3A_55, %ne3A_57 : vector<16xi32>
        %convert_element_type3A_59 = arith.extui %ne3A_58 : vector<16xi1> to vector<16xi32>
        %add3A = arith.addi %while3A_51, %convert_element_type3A_59 : vector<16xi32>
        scf.yield %add3A : vector<16xi32>
      }
      %while3A_16 = arith.constant 1 : i32
      %while3A_17 = scf.for %while3A_50 = %while3A_13 to %while3A_9 step %while3A_16 iter_args(%while3A_51 = %while3A_15) -> (vector<16xi32>)  : i32 {
        %mul3A_52 = arith.constant 16 : i32
        %mul3A_53 = arith.muli %while3A_50, %mul3A_52 : i32
        %get3A_54 = arith.index_cast %mul3A_53 : i32 to index
        %get3A_55 = tpu.vector_load %arg7[%get3A_54] {strides = array<i32>} : memref<2048xi32, #tpu.memory_space<vmem>>, vector<16xi32>,
        %ne3A_56 = arith.constant 0 : i32
        %ne3A_57 = vector.broadcast %ne3A_56 : i32 to vector<16xi32>
        %ne3A_58 = arith.cmpi ne, %get3A_55, %ne3A_57 : vector<16xi32>
        %convert_element_type3A_59 = arith.extui %ne3A_58 : vector<16xi1> to vector<16xi32>
        %add3A = arith.addi %while3A_51, %convert_element_type3A_59 : vector<16xi32>
        scf.yield %add3A : vector<16xi32>
      }
      %reduce_sum3A = arith.constant true
      %reduce_sum3A_18 = vector.broadcast %reduce_sum3A : i1 to vector<16xi1>
      %reduce_sum3A_19 = tpu.scan <sum>, %while3A_17 masked %reduce_sum3A_18 : vector<16xi32>, vector<16xi1> -> vector<16xi32>
      %reduce_sum3A_20 = vector.extract %reduce_sum3A_19[15] : i32 from vector<16xi32>
      %sub3A = arith.constant 1 : i32
      %sub3A_21 = arith.subi %reduce_sum3A_20, %sub3A : i32
      %jit3A = arith.constant 16 : i64
      %convert_element_type3A_22 = arith.trunci %jit3A : i64 to i32
      %div3A = arith.divsi %sub3A_21, %convert_element_type3A_22 : i32
      %sign3A = arith.constant 0 : i32
      %sign3A_23 = arith.cmpi sgt, %sub3A_21, %sign3A : i32
      %sign3A_24 = arith.extui %sign3A_23 : i1 to i32
      %sign3A_25 = arith.constant 0 : i32
      %sign3A_26 = arith.cmpi slt, %sub3A_21, %sign3A_25 : i32
      %sign3A_27 = arith.extui %sign3A_26 : i1 to i32
      %sign3A_28 = arith.subi %sign3A_24, %sign3A_27 : i32
      %sign3A_29 = arith.constant 0 : i32
      %sign3A_30 = arith.cmpi sgt, %convert_element_type3A_22, %sign3A_29 : i32
      %sign3A_31 = arith.extui %sign3A_30 : i1 to i32
      %sign3A_32 = arith.constant 0 : i32
      %sign3A_33 = arith.cmpi slt, %convert_element_type3A_22, %sign3A_32 : i32
      %sign3A_34 = arith.extui %sign3A_33 : i1 to i32
      %sign3A_35 = arith.subi %sign3A_31, %sign3A_34 : i32
      %ne3A = arith.cmpi ne, %sign3A_28, %sign3A_35 : i32
      %rem3A = arith.remsi %sub3A_21, %convert_element_type3A_22 : i32
      %ne3A_36 = arith.constant 0 : i32
      %ne3A_37 = arith.cmpi ne, %rem3A, %ne3A_36 : i32
      %and3A = arith.andi %ne3A, %ne3A_37 : i1
      %sub3A_38 = arith.constant 1 : i32
      %sub3A_39 = arith.subi %div3A, %sub3A_38 : i32
      %select_n3A = arith.select %and3A, %sub3A_39, %div3A : i32
      %mul3A = arith.constant 16 : i32
      %mul3A_40 = arith.muli %select_n3A, %mul3A : i32
      %sub3A_41 = arith.subi %sub3A_21, %mul3A_40 : i32
      %get3A = arith.index_cast %mul3A_40 : i32 to index
      %get3A_42 = tpu.vector_load %arg7[%get3A] {strides = array<i32>} : memref<2048xi32, #tpu.memory_space<vmem>>, vector<16xi32>,
      %iota3A = tpu.iota {dimensions = array<i32: 0>} : vector<16xi32>
      %eq3A_43 = vector.broadcast %sub3A_41 : i32 to vector<16xi32>
      %eq3A_44 = arith.cmpi eq, %iota3A, %eq3A_43 : vector<16xi32>
      %jit3A_45 = arith.constant 0 : i64
      %convert_element_type3A_46 = arith.trunci %jit3A_45 : i64 to i32
      %broadcast_in_dim3A_47 = vector.broadcast %convert_element_type3A_46 : i32 to vector<16xi32>
      %select_n3A_48 = arith.select %eq3A_44, %broadcast_in_dim3A_47, %get3A_42 : vector<16xi1>, vector<16xi32>
      %swap3A = arith.index_cast %mul3A_40 : i32 to index
      %swap3A_49 = tpu.vector_load %arg7[%swap3A] {strides = array<i32>} : memref<2048xi32, #tpu.memory_space<vmem>>, vector<16xi32>,
      tpu.vector_store %arg7[%swap3A], %select_n3A_48 {strides = array<i32>} : memref<2048xi32, #tpu.memory_space<vmem>>, vector<16xi32>,
      "tpu.region"() ({
        %run_scoped3A = tpu.sem_alloc : memref<!tpu.dma_semaphore, #tpu.memory_space<semaphore_mem>>
        %dma_start3A = arith.constant 0 : i32
        %dma_start3A_50 = tpu.memref_slice %arg4[%arg1, %dma_start3A] : memref<16x2048xi32, #tpu.memory_space<hbm>> -> memref<1x2048xi32, #tpu.memory_space<hbm>>
        %dma_start3A_51 = tpu.memref_squeeze %dma_start3A_50 : memref<1x2048xi32, #tpu.memory_space<hbm>> -> memref<2048xi32, #tpu.memory_space<hbm>>
        %dma_start3A_52 = arith.constant 0 : i32
        %dma_start3A_53 = tpu.memref_slice %arg4[%arg1, %dma_start3A_52] : memref<16x2048xi32, #tpu.memory_space<hbm>> -> memref<1x2048xi32, #tpu.memory_space<hbm>>
        %dma_start3A_54 = tpu.memref_squeeze %dma_start3A_53 : memref<1x2048xi32, #tpu.memory_space<hbm>> -> memref<2048xi32, #tpu.memory_space<hbm>>
        tpu.enqueue_dma source(%arg7 : memref<2048xi32, #tpu.memory_space<vmem>>) target(%dma_start3A_54 : memref<2048xi32, #tpu.memory_space<hbm>>) target_semaphore(%run_scoped3A : memref<!tpu.dma_semaphore, #tpu.memory_space<semaphore_mem>>)
        %dma_wait3A = arith.constant 0 : i32
        %dma_wait3A_55 = tpu.memref_slice %arg4[%arg1, %dma_wait3A] : memref<16x2048xi32, #tpu.memory_space<hbm>> -> memref<1x2048xi32, #tpu.memory_space<hbm>>
        %dma_wait3A_56 = tpu.memref_squeeze %dma_wait3A_55 : memref<1x2048xi32, #tpu.memory_space<hbm>> -> memref<2048xi32, #tpu.memory_space<hbm>>
        %dma_wait3A_57 = arith.constant 0 : i32
        %dma_wait3A_58 = tpu.memref_slice %arg4[%arg1, %dma_wait3A_57] : memref<16x2048xi32, #tpu.memory_space<hbm>> -> memref<1x2048xi32, #tpu.memory_space<hbm>>
        %dma_wait3A_59 = tpu.memref_squeeze %dma_wait3A_58 : memref<1x2048xi32, #tpu.memory_space<hbm>> -> memref<2048xi32, #tpu.memory_space<hbm>>
        tpu.wait_dma2 semaphore(%run_scoped3A : memref<!tpu.dma_semaphore, #tpu.memory_space<semaphore_mem>>) src(%arg7 : memref<2048xi32, #tpu.memory_space<vmem>>) dst(%dma_wait3A_59 : memref<2048xi32, #tpu.memory_space<hbm>>)
        tpu.yield
      }) : () -> ()
      "tpu.region"() ({
        %run_scoped3A = tpu.sem_alloc : memref<!tpu.dma_semaphore, #tpu.memory_space<semaphore_mem>>
        %dma_start3A = arith.constant 0 : i32
        %dma_start3A_50 = tpu.memref_slice %arg3[%arg1, %sub3A_21, %dma_start3A] : memref<16x2048x512xf32, #tpu.memory_space<hbm>> -> memref<1x1x512xf32, #tpu.memory_space<hbm>>
        %dma_start3A_51 = tpu.memref_squeeze %dma_start3A_50 : memref<1x1x512xf32, #tpu.memory_space<hbm>> -> memref<1x512xf32, #tpu.memory_space<hbm>>
        %dma_start3A_52 = arith.constant 0 : i32
        %dma_start3A_53 = tpu.memref_slice %arg3[%arg1, %sub3A_21, %dma_start3A_52] : memref<16x2048x512xf32, #tpu.memory_space<hbm>> -> memref<1x1x512xf32, #tpu.memory_space<hbm>>
        %dma_start3A_54 = tpu.memref_squeeze %dma_start3A_53 : memref<1x1x512xf32, #tpu.memory_space<hbm>> -> memref<1x512xf32, #tpu.memory_space<hbm>>
        tpu.enqueue_dma source(%dma_start3A_54 : memref<1x512xf32, #tpu.memory_space<hbm>>) target(%arg8 : memref<1x512xf32, #tpu.memory_space<vmem>>) target_semaphore(%run_scoped3A : memref<!tpu.dma_semaphore, #tpu.memory_space<semaphore_mem>>)
        %dma_wait3A = arith.constant 0 : i32
        %dma_wait3A_55 = tpu.memref_slice %arg3[%arg1, %sub3A_21, %dma_wait3A] : memref<16x2048x512xf32, #tpu.memory_space<hbm>> -> memref<1x1x512xf32, #tpu.memory_space<hbm>>
        %dma_wait3A_56 = tpu.memref_squeeze %dma_wait3A_55 : memref<1x1x512xf32, #tpu.memory_space<hbm>> -> memref<1x512xf32, #tpu.memory_space<hbm>>
        %dma_wait3A_57 = arith.constant 0 : i32
        %dma_wait3A_58 = tpu.memref_slice %arg3[%arg1, %sub3A_21, %dma_wait3A_57] : memref<16x2048x512xf32, #tpu.memory_space<hbm>> -> memref<1x1x512xf32, #tpu.memory_space<hbm>>
        %dma_wait3A_59 = tpu.memref_squeeze %dma_wait3A_58 : memref<1x1x512xf32, #tpu.memory_space<hbm>> -> memref<1x512xf32, #tpu.memory_space<hbm>>
        tpu.wait_dma2 semaphore(%run_scoped3A : memref<!tpu.dma_semaphore, #tpu.memory_space<semaphore_mem>>) src(%dma_wait3A_59 : memref<1x512xf32, #tpu.memory_space<hbm>>) dst(%arg8 : memref<1x512xf32, #tpu.memory_space<vmem>>)
        tpu.yield
      }) : () -> ()
      "tpu.region"() ({
        %run_scoped3A = tpu.sem_alloc : memref<!tpu.dma_semaphore, #tpu.memory_space<semaphore_mem>>
        %dma_start3A = arith.constant 0 : i32
        %dma_start3A_50 = arith.constant 0 : i32
        %dma_start3A_51 = tpu.memref_slice %arg5[%arg1, %dma_start3A, %dma_start3A_50] : memref<16x1x512xf32, #tpu.memory_space<hbm>> -> memref<1x1x512xf32, #tpu.memory_space<hbm>>
        %dma_start3A_52 = tpu.memref_squeeze %dma_start3A_51 : memref<1x1x512xf32, #tpu.memory_space<hbm>> -> memref<1x512xf32, #tpu.memory_space<hbm>>
        %dma_start3A_53 = arith.constant 0 : i32
        %dma_start3A_54 = arith.constant 0 : i32
        %dma_start3A_55 = tpu.memref_slice %arg5[%arg1, %dma_start3A_53, %dma_start3A_54] : memref<16x1x512xf32, #tpu.memory_space<hbm>> -> memref<1x1x512xf32, #tpu.memory_space<hbm>>
        %dma_start3A_56 = tpu.memref_squeeze %dma_start3A_55 : memref<1x1x512xf32, #tpu.memory_space<hbm>> -> memref<1x512xf32, #tpu.memory_space<hbm>>
        tpu.enqueue_dma source(%arg8 : memref<1x512xf32, #tpu.memory_space<vmem>>) target(%dma_start3A_56 : memref<1x512xf32, #tpu.memory_space<hbm>>) target_semaphore(%run_scoped3A : memref<!tpu.dma_semaphore, #tpu.memory_space<semaphore_mem>>)
        %dma_wait3A = arith.constant 0 : i32
        %dma_wait3A_57 = arith.constant 0 : i32
        %dma_wait3A_58 = tpu.memref_slice %arg5[%arg1, %dma_wait3A, %dma_wait3A_57] : memref<16x1x512xf32, #tpu.memory_space<hbm>> -> memref<1x1x512xf32, #tpu.memory_space<hbm>>
        %dma_wait3A_59 = tpu.memref_squeeze %dma_wait3A_58 : memref<1x1x512xf32, #tpu.memory_space<hbm>> -> memref<1x512xf32, #tpu.memory_space<hbm>>
        %dma_wait3A_60 = arith.constant 0 : i32
        %dma_wait3A_61 = arith.constant 0 : i32
        %dma_wait3A_62 = tpu.memref_slice %arg5[%arg1, %dma_wait3A_60, %dma_wait3A_61] : memref<16x1x512xf32, #tpu.memory_space<hbm>> -> memref<1x1x512xf32, #tpu.memory_space<hbm>>
        %dma_wait3A_63 = tpu.memref_squeeze %dma_wait3A_62 : memref<1x1x512xf32, #tpu.memory_space<hbm>> -> memref<1x512xf32, #tpu.memory_space<hbm>>
        tpu.wait_dma2 semaphore(%run_scoped3A : memref<!tpu.dma_semaphore, #tpu.memory_space<semaphore_mem>>) src(%arg8 : memref<1x512xf32, #tpu.memory_space<vmem>>) dst(%dma_wait3A_63 : memref<1x512xf32, #tpu.memory_space<hbm>>)
        tpu.yield
      }) : () -> ()
    } else {
    }
    %eq3A = arith.constant 0 : i32
    %eq3A_2 = arith.cmpi eq, %arg1, %eq3A : i32
    %convert_element_type3A_3 = arith.extui %eq3A_2 : i1 to i32
    %cond3A_4 = arith.constant 0 : i32
    %cond3A_5 = arith.cmpi ne, %convert_element_type3A_3, %cond3A_4 : i32
    scf.if %cond3A_5 {
      %broadcast_in_dim3A = arith.constant 1.000000e+00 : f32
      %broadcast_in_dim3A_6 = vector.broadcast %broadcast_in_dim3A : f32 to vector<16xf32>
      %swap3A = arith.constant 0 : index
      %swap3A_7 = tpu.vector_load %arg9[%swap3A] {strides = array<i32>} : memref<16xf32, #tpu.memory_space<vmem>>, vector<16xf32>,
      tpu.vector_store %arg9[%swap3A], %broadcast_in_dim3A_6 {strides = array<i32>} : memref<16xf32, #tpu.memory_space<vmem>>, vector<16xf32>,
      "tpu.region"() ({
        %run_scoped3A = tpu.sem_alloc : memref<!tpu.dma_semaphore, #tpu.memory_space<semaphore_mem>>
        tpu.enqueue_dma source(%arg9 : memref<16xf32, #tpu.memory_space<vmem>>) target(%arg6 : memref<16xf32, #tpu.memory_space<hbm>>) target_semaphore(%run_scoped3A : memref<!tpu.dma_semaphore, #tpu.memory_space<semaphore_mem>>)
        tpu.wait_dma2 semaphore(%run_scoped3A : memref<!tpu.dma_semaphore, #tpu.memory_space<semaphore_mem>>) src(%arg9 : memref<16xf32, #tpu.memory_space<vmem>>) dst(%arg6 : memref<16xf32, #tpu.memory_space<hbm>>)
        tpu.yield
      }) : () -> ()
    } else {
    }
    return
  }
}

module attributes {stable_mosaic.version = 14 : i64} {
  func.func @_copy_body(%arg0: i32, %arg1: memref<1x2048x512xf32, #tpu.memory_space<vmem>>, %arg2: memref<1x2048x512xf32, #tpu.memory_space<vmem>>) attributes {dimension_semantics = [#tpu.dimension_semantics<arbitrary>], iteration_bounds = array<i64: 16>, scalar_prefetch = 0 : i64, scratch_operands = 0 : i64, tpu.core_type = #tpu.core_type<tc>, window_params = [{transform_indices = @transform_0, window_bounds = array<i64: 1, 2048, 512>}, {transform_indices = @transform_1, window_bounds = array<i64: 1, 2048, 512>}]} {
    %get3A = arith.constant 0 : index
    %get3A_0 = arith.constant 0 : index
    %get3A_1 = arith.constant 0 : index
    %get3A_2 = vector.load %arg1[%get3A, %get3A_0, %get3A_1] : memref<1x2048x512xf32, #tpu.memory_space<vmem>>, vector<1x2048x512xf32>
    %swap3A = arith.constant 0 : index
    %swap3A_3 = arith.constant 0 : index
    %swap3A_4 = arith.constant 0 : index
    %swap3A_5 = vector.load %arg2[%swap3A, %swap3A_3, %swap3A_4] : memref<1x2048x512xf32, #tpu.memory_space<vmem>>, vector<1x2048x512xf32>
    tpu.vector_store %arg2[%swap3A, %swap3A_3, %swap3A_4], %get3A_2 {strides = array<i32>} : memref<1x2048x512xf32, #tpu.memory_space<vmem>>, vector<1x2048x512xf32>,
    return
  }
  func.func @transform_0(%arg0: i32) -> (i32, i32, i32) {
    %c0_i32 = arith.constant 0 : i32
    %c0_i32_0 = arith.constant 0 : i32
    %c0_i32_1 = arith.constant 0 : i32
    return %arg0, %c0_i32, %c0_i32_0 : i32, i32, i32
  }
  func.func @transform_1(%arg0: i32) -> (i32, i32, i32) {
    %c0_i32 = arith.constant 0 : i32
    %c0_i32_0 = arith.constant 0 : i32
    %c0_i32_1 = arith.constant 0 : i32
    return %arg0, %c0_i32, %c0_i32_0 : i32, i32, i32
  }
}

</mosaic_0001>

<sc_bundles>
// kernel: kernel.4.cloned.1.call-start
scs
__scs_entry_jumppad:
0x0: {  	(pc) =	sbr.rel $0x88, $3  }
0x1: {  	(tag) =	ssettag $0x0;
	lr =	simm.s32 $0x1  }
0x2: {  	[smem:$0x3F9F] =	sst lr;
	_ =	strace $0xD0000000  }
0x3: {  	_ = 	snop  }
0x4: {  	_ = 	snop  }
0x5: {  	_ = 	snop  }
0x6: {  	_ = 	snop  }
0x7: {  	_ = 	snop  }
__scs_overlays_trampoline_lowered:
0x8: {  	[smem:$0x3FAE] =	sst s0  }
0x9: {  	[smem:$0x3FAF] =	sst s1  }
0xa: {  	[smem:$0x3FB0] =	sst s2  }
0xb: {  	[smem:$0x3FB1] =	sst s3  }
0xc: {  	[smem:$0x3FB2] =	sst s4  }
0xd: {  	[smem:$0x3FB3] =	sst s5  }
0xe: {  	[smem:$0x3FB4] =	sst s6  }
0xf: {  	[smem:$0x3FB5] =	sst s7  }
0x10: {  	[smem:$0x3FB6] =	sst s8  }
0x11: {  	[smem:$0x3FB7] =	sst s9;
	s0 =	simm.s32 @!p0 $0x0  }
0x12: {  	s1 =	sld [smem:$0x3F9D];
	s0 =	simm.s32 @p0 $0x1  }
0x13: {  	[smem:$0x3FB8] =	sst s0;
	s0 =	simm.s32 @!p1 $0x0  }
0x14: {  	s2 =	sld [smem:$0x3F9C];
	s0 =	simm.s32 @p1 $0x1  }
0x15: {  	[smem:$0x3FB9] =	sst s0;
	s0 =	simm.s32 @!p2 $0x0  }
0x16: {  	s3 =	sld [smem:$0x3FDB];
	s0 =	simm.s32 @p2 $0x1  }
0x17: {  	s4 =	simm.s32 $0x1BF5;
	[smem:$0x3FBB] =	sst s0  }
0x18: {  	s0 =	sld [smem:$0x3F9E];
	_ =	swait.ge [sflag:s4], $0x0  }
0x19: {  	s7 =	sld [smem:$0x3F9F]  }
0x1a: {  	s8 =	sadd.s32 $0xFFFFE003, lr  }
0x1b: {  	s9 =	sadd.s32 $0xFFFFFEF7, lr;
	s5 =	simm.s32 $0xFFFFFFFF;
	p2 =	slt.u32 s8, $0xFFFFF086  }
0x1c: {  	p1 =	slt.u32 s9, $0xF7A;
	s5 =	simm.s32 @!p2 $0x0  }
0x1d: {  	s5 =	simm.s32 @p1 $0x1;
	p0 =	seq.s32 s7, s2  }
0x1e: {  	s7 =	smul.u32 @!p0 $0xF7A, s2;
	p2 =	seq.s32 @!p0 s5, $0x0  }
0x1f: {  	s9 =	smul.u32 $0xF7A, s1;
	s8 =	simm.s32 @!p0 $0x1BF5;
	p2 =	por !p2, p0  }
0x20: {  	[sflag:s8] =	ssyncset.s32 @!p0 $0xFFFFF086;
	s6 =	sadd.s32 @!p0 s3, s7;
	s7 =	simm.s32 @!p0 $0x108  }
0x21: {  	s3 =	sadd.s32 s3, s9;
	s6 =	sadd.s32 @!p0 $0x88, s6;
	s7 =	simm.s32 @p2 $0x1082  }
0x22: {  	[simem:s7], [sflag:s8] =	dma.local @!p0 [hbm:s6], $0xF7A  }
0x23: {  	s9 =	sor.u32 $0xD0000000, s2;
	s6 =	simm.s32 $0x108;
	_ =	swait.ge @!p0 [sflag:s8], $0x0  }
0x24: {  	s3 =	sadd.s32 $0x88, s3;
	s6 =	simm.s32 @!p1 $0x1082;
	[sflag:s4] =	ssyncset.s32 $0xFFFFF086  }
0x25: {  	[simem:s6], [sflag:s4] =	dma.local [hbm:s3], $0xF7A  }
0x26: {  	[smem:$0x3F9F] =	sst s1;
	(tag) =	ssettag s2;
	_ =	strace s9  }
0x27: {  	s1 =	sld [smem:$0x3FAF]  }
0x28: {  	s2 =	sld [smem:$0x3FB0]  }
0x29: {  	s4 =	sld [smem:$0x3FB2]  }
0x2a: {  	p0 =	seq.s32 s5, $0x0;
	s5 =	sld [smem:$0x3FB3]  }
0x2b: {  	s6 =	sld [smem:$0x3FB4]  }
0x2c: {  	s7 =	sld [smem:$0x3FB5]  }
0x2d: {  	s3 =	simm.s32 $0x108;
	s8 =	sld [smem:$0x3FB6]  }
0x2e: {  	s3 =	simm.s32 @!p0 $0x1082;
	s9 =	sld [smem:$0x3FB7]  }
0x2f: {  	lr =	sadd.s32 s0, s3;
	s0 =	sld [smem:$0x3FAE]  }
0x30: {  	s3 =	sld [smem:$0x3FB1]  }
0x31: {  	[smem:$0x3FBA] =	sst s10  }
0x32: {  	s10 =	sld [smem:$0x3FB8];
	_ =	sdelay $0x3  }
0x33: {  	p0 =	seq.s32 s10, $0x1;
	s10 =	sld [smem:$0x3FBA];
	_ =	sdelay $0x3  }
0x34: {  	[smem:$0x3FBA] =	sst s10  }
0x35: {  	s10 =	sld [smem:$0x3FB9];
	_ =	sdelay $0x3  }
0x36: {  	p1 =	seq.s32 s10, $0x1;
	s10 =	sld [smem:$0x3FBA];
	_ =	sdelay $0x3  }
0x37: {  	[smem:$0x3FBA] =	sst s10  }
0x38: {  	s10 =	sld [smem:$0x3FBB]  }
0x39: {  	_ = 	snop;
	(pc) =	sbr.ind lr, $3  }
0x3a: {  	_ = 	snop  }
0x3b: {  	_ = 	snop  }
0x3c: {  	p2 =	seq.s32 s10, $0x1;
	s10 =	sld [smem:$0x3FBA]  }
0x3d: {  	_ =	shalt  }
0x3e: {  	_ =	shalt  }
0x3f: {  	_ =	shalt  }
0x40: {  	_ =	shalt  }
0x41: {  	_ =	shalt  }
0x42: {  	_ =	shalt  }
0x43: {  	_ =	shalt  }
0x44: {  	_ =	shalt  }
0x45: {  	_ =	shalt  }
0x46: {  	_ =	shalt  }
0x47: {  	_ =	shalt  }
0x48: {  	_ =	shalt  }
0x49: {  	_ =	shalt  }
0x4a: {  	_ =	shalt  }
0x4b: {  	_ =	shalt  }
0x4c: {  	_ =	shalt  }
0x4d: {  	_ =	shalt  }
0x4e: {  	_ =	shalt  }
0x4f: {  	_ =	shalt  }
0x50: {  	_ =	shalt  }
0x51: {  	_ =	shalt  }
0x52: {  	_ =	shalt  }
0x53: {  	_ =	shalt  }
0x54: {  	_ =	shalt  }
0x55: {  	_ =	shalt  }
0x56: {  	_ =	shalt  }
0x57: {  	_ =	shalt  }
0x58: {  	_ =	shalt  }
0x59: {  	_ =	shalt  }
0x5a: {  	_ =	shalt  }
0x5b: {  	_ =	shalt  }
0x5c: {  	_ =	shalt  }
0x5d: {  	_ =	shalt  }
0x5e: {  	_ =	shalt  }
0x5f: {  	_ =	shalt  }
0x60: {  	_ =	shalt  }
0x61: {  	_ =	shalt  }
0x62: {  	_ =	shalt  }
0x63: {  	_ =	shalt  }
0x64: {  	_ =	shalt  }
0x65: {  	_ =	shalt  }
0x66: {  	_ =	shalt  }
0x67: {  	_ =	shalt  }
0x68: {  	_ =	shalt  }
0x69: {  	_ =	shalt  }
0x6a: {  	_ =	shalt  }
0x6b: {  	_ =	shalt  }
0x6c: {  	_ =	shalt  }
0x6d: {  	_ =	shalt  }
0x6e: {  	_ =	shalt  }
0x6f: {  	_ =	shalt  }
0x70: {  	_ =	shalt  }
0x71: {  	_ =	shalt  }
0x72: {  	_ =	shalt  }
0x73: {  	_ =	shalt  }
0x74: {  	_ =	shalt  }
0x75: {  	_ =	shalt  }
0x76: {  	_ =	shalt  }
0x77: {  	_ =	shalt  }
0x78: {  	_ =	shalt  }
0x79: {  	_ =	shalt  }
0x7a: {  	_ =	shalt  }
0x7b: {  	_ =	shalt  }
0x7c: {  	_ =	shalt  }
0x7d: {  	_ =	shalt  }
0x7e: {  	_ =	shalt  }
0x7f: {  	_ =	shalt  }
0x80: {  	_ =	shalt  }
0x81: {  	_ =	shalt  }
0x82: {  	_ =	shalt  }
0x83: {  	_ =	shalt  }
0x84: {  	_ =	shalt  }
0x85: {  	_ =	shalt  }
0x86: {  	_ =	shalt  }
0x87: {  	_ =	shalt  }
.Lfunc_end0:
.L_simem_size_0:
called_computation_lowered:
.L_overlay_start_0:
0x88: {  	s0 =	sld [smem:$0x3FD9]  }
0x89: {  	s1 =	sld [smem:$0x3FFE];
	_ =	sdelay $0x3  }
0x8a: {  	s0 =	sadd.s32 s1, s0  }
0x8b: {  	[smem:$0x3FC6] =	sst s0  }
0x8c: {  	_ = 	snop  }
0x8d: {  	s0 =	sld [smem:$0x3FD0];
	_ =	sdelay $0x2  }
0x8e: {  	s2 =	simm.s32 $0xA;
	s3 =	simm.s32 $0x10;
	s13 =	sld [smem:$0x3FC9]  }
0x8f: {  	[smem:s3], [sflag:s2] =	dma.local [hbm:s0], $0x1  }
0x90: {  	_ =	swait.eq [sflag:s2], $0x1  }
0x91: {  	s14 =	sld [smem:$0x11];
	[sflag:s2] =	ssyncset.done $0x0  }
0x92: {  	s15 =	sld [smem:$0x12];
	[sflag:s2] =	ssyncadd.s32 $0xFFFFFFFF  }
0x93: {  	s16 =	sld [smem:$0x13];
	(tm) =	ssettm $0x1  }
0x94: {  	s4 =	sld [smem:$0x3FFB];
	_ =	sdelay $0x3  }
0x95: {  	_ =	strace s4  }
0x96: {  	s4 =	sld [smem:$0x3FFC];
	_ =	sdelay $0x3  }
0x97: {  	_ =	strace s4  }
0x98: {  	s4 =	sld [smem:$0x3FFD];
	_ =	sdelay $0x3  }
0x99: {  	_ =	strace s4  }
0x9a: {  	_ =	strace $0x8FFFFFFF  }
0x9b: {  	s17 =	sld [smem:$0x3FDB];
	_ =	sdelay $0x1  }
0x9c: {  	s5 =	simm.s32 $_scs_section_size  }
0x9d: {  	s6 =	simm.s32 $_size__tile_overlayer_lowered;
	s7 =	simm.s32 $_tile_overlayer_lowered  }
0x9e: {  	s20 =	simm.s32 $0x1BFF;
	s19 =	sshll.u32 s7, $0x1;
	s4 =	sadd.s32 s5, s17  }
0x9f: {  	s8 =	simm.s32 $0x0;
	s18 =	sshll.u32 s6, $0x1;
	s6 =	sadd.s32 s19, s4  }
0xa0: {  	[timem:s8], [sflag:s20] =	dma.local [hbm:s6], s18  }
0xa1: {  	_ =	swait.ge [sflag:s20], s18  }
0xa2: {  	s5 =	ssub.s32 $0x0, s18;
	[sflag:s20] =	ssyncset.done $0x0  }
0xa3: {  	[sflag:s20] =	ssyncadd.s32 s5;
	_ =	sdelay $0x1  }
0xa4: {  	s21 =	simm.s32 $0x1B8B  }
0xa5: {  	_ =	swait.ge [sflag:s21], $0x1  }
0xa6: {  	[sflag:s21] =	ssyncset.done $0x0  }
0xa7: {  	s23 =	simm.s32 $0x1B8E;
	s22 =	sld [smem:$0x3FFE];
	[sflag:s21] =	ssyncadd.s32 $0xFFFFFFFF  }
0xa8: {  	s24 =	simm.s32 $execute0_lowered;
	[smem:$0x3FD2] =	sst s23  }
0xa9: {  	s6 =	sshll.u32 s24, $0x1;
	_ =	strace $0x80000046;
	[dreg:$0x1] =	wrdreg $0xFFFFFFFF  }
0xaa: {  	s25 =	simm.s32 $_size_execute0_lowered;
	s4 =	sadd.s32 s4, s6;
	[dreg:$0x0] =	wrdreg $0x0  }
0xab: {  	s6 =	sshll.u32 s25, $0x1;
	[dreg:$0x2] =	wrdreg s4  }
0xac: {  	[dreg:$0x3] =	wrdreg s6  }
0xad: {  	[dreg:$0x4] =	wrdreg $0xC0  }
0xae: {  	_ =	task [dreg:s8], $0x5FFFF  }
0xaf: {  	[dreg:$0x1] =	wrdreg $0xFFFFFFFF  }
0xb0: {  	[dreg:$0x0] =	wrdreg $0x60  }
0xb1: {  	[dreg:$0x2] =	wrdreg s14  }
0xb2: {  	[dreg:$0x3] =	wrdreg s13  }
0xb3: {  	[dreg:$0x4] =	wrdreg s22  }
0xb4: {  	[dreg:$0x5] =	wrdreg s15  }
0xb5: {  	[dreg:$0x6] =	wrdreg s16  }
0xb6: {  	[dreg:$0x7] =	wrdreg $0x9  }
0xb7: {  	_ =	task.clear_ibuf [dreg:s8], $0x8FFFF;
	_ =	strace $0x90000046  }
0xb8: {  	s26 =	simm.s32 $0x9;
	_ =	strace $0x80000048  }
0xb9: {  	_ =	swait.ge [sflag:s26], $0x1  }
0xba: {  	[sflag:s26] =	ssyncadd.s32 $0xFFFFFFFF  }
0xbb: {  	_ =	strace $0x90000048  }
0xbc: {  	_ =	sfence  }
0xbd: {  	s28 =	sld [smem:$0x0];
	_ =	sdelay $0x1  }
0xbe: {  	s29 =	srdreg.scid  }
0xbf: {  	s30 =	sshll.u32 s29, $0xD;
	s31 =	sshrl.u32 s29, $0x2  }
0xc0: {  	s1 =	sand.u32 $0x1, s29;
	s2 =	sand.u32 $0x4000, s30;
	s0 =	sadd.s32 s31, s28  }
0xc1: {  	s1 =	sor.u32 s2, s1;
	s0 =	sshll.u32 s0, $0x11  }
0xc2: {  	s0 =	sor.u32 s0, s1  }
0xc3: {  	s0 =	sadd.s32 $0x8F2B, s0  }
0xc4: {  	[sflag:s0] =	ssyncadd.remote.s32 $0x1  }
0xc5: {  	_ =	sfence.sel $0xFFFF  }
0xc6: {  	[dreg:$0x0] =	wrdreg $0xFFFFFFFF;
	(pc) =	sbr.abs _section_cstart, $3  }
0xc7: {  	[dreg:$0x1] =	wrdreg $0xFFFFFFFF  }
0xc8: {  	_ =	task.clear_ibuf [dreg:s8], $0x2FFFF;
	_ =	strace $0x9FFFFFFF  }
0xc9: {  	(tm) =	ssettm $0x7FFFFFFF  }
tec
execute0_lowered:
.L_overlay_start_1:
0x0: {  	(tag) =	ssettag $0x1  }
0x1: {  	s6 =	rddreg [dreg:$0x0]  }
0x2: {  	s4 =	rddreg [dreg:$0x1]  }
0x3: {  	s7 =	rddreg [dreg:$0x2]  }
0x4: {  	s3 =	rddreg [dreg:$0x3]  }
0x5: {  	s1 =	rddreg [dreg:$0x4];
	s2 =	stileid.u32  }
0x6: {  	s0 =	rddreg [dreg:$0x5];
	s5 =	sshll.u32 s2, $0x8;
	s9 =	sshll.u32 s2, $0x4  }
0x7: {  	s8 =	simm.s32 $0x0;
	s29 =	simm.s32 $0x80;
	s5 =	sor.u32 s9, s5  }
0x8: {  	s10 =	simm.s32 $0x400;
	[smem:$0x7FF] =	sst s8;
	s5 =	sand.u32 $0x870, s5  }
0x9: {  	s30 =	simm.s32 $0x1;
	_ =	strace $0x80000047;
	s6 =	sadd.s32 s6, s5  }
0xa: {  	[tilespmem:s8], [sflag:$0x1] =	stream.strided.gather [hbm4b:s6+s29], $0x800, s10, s29, $0x38;
	[tilespmem:$0xA80] =	vst v63  }
0xb: {  	_ =	swait.ge [sflag:s30], $0x800  }
0xc: {  	[sflag:s30] =	ssyncset.done $0x0  }
0xd: {  	s31 =	simm.s32 $0x0;
	[sflag:s30] =	ssyncadd.s32 $0xFFFFF800  }
0xe: {  	v2 =	vld [tilespmem:s31+$0x0]  }
0xf: {  	v0 =	vimm.s32 $0x0;
	v1 =	vimm.s32 $0x0;
	s6 =	sadd.s32 $0x800, s7;
	s7 =	simm.s32 $0x40  }
.LBB2_1:
0x10: {  	p0 =	sne.s32 s7, $0x1FC0  }
.Ltmp0:
0x11: {  	_ = 	snop;
	(pc) =	sbr.rel @p0 .LBB2_1-.Ltmp0, $4  }
0x12: {  	_ = 	snop  }
0x13: {  	s8 =	sshra.s32 s7, $0x2;
	s7 =	sadd.s32 $0x40, s7;
	vm0 =	vne.s32 v2, $0x0  }
0x14: {  	v2 =	vld [tilespmem:s8+$0x0];
	v3 =	vsel vm0, $0x1, v0  }
0x15: {  	v1 =	vadd.s32 v3, v1  }
0x16: {  	_ =	sdelay $0x2  }
0x17: {  	vm0 =	vne.s32 v2, $0x0  }
0x18: {  	v0 =	vsel vm0, $0x1, v0  }
0x19: {  	v0 =	vadd.s32 v0, v1  }
0x1a: {  	(xrf0) =	vadd.scan.msk.s32 $0xffff, v0;
	_ =	sdelay $0x5  }
0x1b: {  	v0, _, _ =	vpop (xrf0)  }
0x1c: {  	(v2sf) =	vpush v0, $0xF;
	_ =	sdelay $0xe  }
0x1d: {  	s7 =	spop (v2sf)  }
0x1e: {  	s7 =	sadd.s32 $0xFFFFFFFF, s7  }
0x1f: {  	s8 =	sand.u32 $0xF, s7  }
0x20: {  	s9 =	sshra.s32 s7, $0x1F;
	p0 =	slt.s32 s7, $0x1;
	p1 =	sne.s32 s8, $0x0  }
0x21: {  	s22 =	sshrl.u32 s9, $0x1C;
	p0 =	por !p0, !p1  }
0x22: {  	s9 =	simm.s32 $0x1;
	s8 =	sadd.s32 s22, s7;
	p0 =	por !p0, !p0  }
0x23: {  	s8 =	sshrl.u32 s8, $0x4;
	s9 =	simm.s32 @!p0 $0x0  }
0x24: {  	s8 =	ssub.s32 s8, s9  }
0x25: {  	s8 =	sshll.u32 s8, $0x4  }
0x26: {  	v61 =	vld [tilespmem:s8+$0x0];
	_ =	sdelay $0x1  }
0x27: {  	s23 =	ssub.s32 s7, s8  }
0x28: {  	v63 =	vlaneseq.u32;
	v62 =	vmov s23  }
0x29: {  	vm15 =	veq.s32 v62, v63  }
0x2a: {  	s5 =	sadd.s32 s6, s5;
	s24 =	simm.s32 $0x80;
	v0 =	vsel vm15, $0x0, v61  }
0x2b: {  	s25 =	simm.s32 $0x400;
	s26 =	simm.s32 $0x0;
	s28 =	sshll.u32 s7, $0x9;
	[tilespmem:s8+$0x0] =	vst v0  }
0x2c: {  	[hbm4b:s5+s24] =	stream.strided.scatter [tilespmem:s26], [sflag:$0x1], $0x800, s25, s24, $0x38;
	[tilespmem:$0xA80] =	vst v63  }
0x2d: {  	s10 =	sshll.u32 s2, $0x14;
	s7 =	sshll.u32 s7, $0x7;
	s5 =	sand.u32 $0xFFFFF000, s28  }
0x2e: {  	s29 =	simm.s32 $0x1;
	s7 =	sand.u32 $0x380, s7;
	s5 =	sadd.s32 s10, s5  }
0x2f: {  	_ =	swait.ge [sflag:s29], $0x800;
	s5 =	sor.u32 s7, s5  }
0x30: {  	[sflag:s29] =	ssyncset.done $0x0;
	s5 =	sshrl.u32 s5, $0x3  }
0x31: {  	s30 =	simm.s32 $0x800;
	[sflag:s29] =	ssyncadd.s32 $0xFFFFF800;
	s4 =	sadd.s32 s4, s5  }
0x32: {  	[tilespmem:s30], [sflag:$0x1] =	stream.strided.gather [hbm4b:s4+s24], $0x200, s25, s24, $0x38;
	[tilespmem:$0xA80] =	vst v63  }
0x33: {  	_ =	swait.ge [sflag:s29], $0x200  }
0x34: {  	s31 =	sshll.u32 s2, $0x6;
	[sflag:s29] =	ssyncset.done $0x0  }
0x35: {  	s3 =	sadd.s32 s3, s31;
	[sflag:s29] =	ssyncadd.s32 $0xFFFFFE00  }
0x36: {  	[hbm4b:s3+s26] =	stream.linear.scatter [tilespmem:s30], [sflag:$0x1], $0x200, $0x38;
	[tilespmem:$0xA80] =	vst v63  }
0x37: {  	_ =	swait.ge [sflag:s29], $0x200  }
0x38: {  	[sflag:s29] =	ssyncset.done $0x0  }
0x39: {  	p0 =	sne.s32 s2, $0x0;
	[sflag:s29] =	ssyncadd.s32 $0xFFFFFE00  }
0x3a: {  	_ =	sfence.sel @p0 $0x180000  }
0x3b: {  	[bflag:$0x0] =	sbarrier.arrive @p0 $0xFFFF  }
0x3c: {  	_ =	strace @p0 $0x90000047  }
0x3d: {  	v0 =	vimm.f32 @!p0 $1.000000000e+00;
	[bflag:$0x2] =	sbarrier.arrive @p0 $0xFFFF  }
0x3e: {  	s2 =	simm.s32 @!p0 $0x0;
	s3 =	simm.s32 @!p0 $0xA00;
	[tilespmem:$0xA00] =	vst @!p0 v0  }
0x3f: {  	[hbm4b:s1+s2] =	stream.linear.scatter @!p0 [tilespmem:s3], [sflag:$0x1], $0x80, $0x38;
	[tilespmem:$0xA80] =	vst v63  }
0x40: {  	s1 =	simm.s32 @!p0 $0x1  }
0x41: {  	_ =	swait.ge @!p0 [sflag:s1], $0x80  }
0x42: {  	[sflag:s1] =	ssyncset.done @!p0 $0x0  }
0x43: {  	[sflag:s1] =	ssyncadd.s32 @!p0 $0xFFFFFF80  }
0x44: {  	_ =	sfence.sel @!p0 $0x180000  }
0x45: {  	[bflag:$0x0] =	sbarrier.arrive @!p0 $0xFFFF  }
0x46: {  	_ =	strace @!p0 $0x90000047  }
0x47: {  	s0 =	sadd.s32 @!p0 $0x100000, s0;
	[bflag:$0x2] =	sbarrier.arrive @!p0 $0xFFFF  }
0x48: {  	[sflag:s0] =	ssyncadd.tile.s32 @!p0 $0x1;
	_ =	shalt  }
.Lfunc_end2:
_tile_overlayer_lowered:
.L_overlay_start_2:
0x49: {  	(tag) =	ssettag $0x2  }
0x4a: {  	s0 =	rddreg [dreg:$0x0];
	s2 =	stileid.u32  }
0x4b: {  	s1 =	rddreg [dreg:$0x1];
	p0 =	sne.s32 s2, $0x0  }
0x4c: {  	s3 =	rddreg [dreg:$0x2];
	[bflag:$0x3] =	sbarrier.arrive $0xFFFF;
	s2 =	simm.s32 @!p0 $0x1C01  }
0x4d: {  	[timem:s3], [sflag:s2] =	dma.local @!p0 [hbm:s0], s1  }
0x4e: {  	s0 =	simm.s32 @!p0 $0x1  }
0x4f: {  	_ =	swait.ge @!p0 [sflag:s0], s1  }
0x50: {  	s1 =	ssub.s32 @!p0 $0x0, s1;
	[sflag:s0] =	ssyncset.done @!p0 $0x0  }
0x51: {  	[sflag:s0] =	ssyncadd.s32 @!p0 s1  }
0x52: {  	[bflag:$0x3] =	sbarrier.arrive $0xFFFF  }
0x53: {  	_ =	shalt  }

</sc_bundles>
